<compile_context>
chip_gen: v7x
topology: tpu7x:2x2x1
jax: 0.10.2.dev20260603
libtpu: 0.0.44.dev20260713+nightly
codegen_flags: <defaults>
</compile_context>

<pallas_src>
import jax
import jax.numpy as jnp
from jax import lax
from jax.experimental import pallas as pl
from jax.experimental.pallas import tpu as pltpu

_ST = 16
_NS = 14
_S = _NS * _NS
_C1 = 96
_W = 224
_STRIP = _ST * _W
_NSTRIP = _W // _ST

_MM = dict(preferred_element_type=jnp.float32)


def _split(a):
    ah = a.astype(jnp.bfloat16)
    al = (a - ah.astype(jnp.float32)).astype(jnp.bfloat16)
    return ah, al


def _dot3(a, b, dims):
    ah, al = _split(a)
    bh, bl = _split(b)
    d = lax.dot_general(ah, bh, (dims, ((), ())), **_MM)
    d += lax.dot_general(ah, bl, (dims, ((), ())), **_MM)
    d += lax.dot_general(al, bh, (dims, ((), ())), **_MM)
    return d


def _dot3p(ah, al, bh, bl, dims):
    d = lax.dot_general(ah, bh, (dims, ((), ())), **_MM)
    d += lax.dot_general(ah, bl, (dims, ((), ())), **_MM)
    d += lax.dot_general(al, bh, (dims, ((), ())), **_MM)
    return d


def _dot_e(a, b_exact, dims):
    ah, al = _split(a)
    be = b_exact.astype(jnp.bfloat16)
    d = lax.dot_general(ah, be, (dims, ((), ())), **_MM)
    d += lax.dot_general(al, be, (dims, ((), ())), **_MM)
    return d


def _dot_e2(a_exact, b, dims):
    ae = a_exact.astype(jnp.bfloat16)
    bh, bl = _split(b)
    d = lax.dot_general(ae, bh, (dims, ((), ())), **_MM)
    d += lax.dot_general(ae, bl, (dims, ((), ())), **_MM)
    return d


_WIN = 48


def _window(j):
    q = jnp.clip(j - 1, 0, 11)
    w0 = q * _NS
    s_iota = lax.broadcasted_iota(jnp.int32, (_S, _WIN), 0)
    r_iota = lax.broadcasted_iota(jnp.int32, (_S, _WIN), 1)
    pjt = (s_iota == r_iota + w0).astype(jnp.float32)
    s_iota2 = lax.broadcasted_iota(jnp.int32, (_WIN, _S), 1)
    r_iota2 = lax.broadcasted_iota(jnp.int32, (_WIN, _S), 0)
    pj = (s_iota2 == r_iota2 + w0).astype(jnp.float32)
    rcol = lax.broadcasted_iota(jnp.int32, (_WIN, 1), 0)
    rband = (rcol >= _NS).astype(jnp.int32) + (rcol >= 2 * _NS).astype(
        jnp.int32) + (rcol >= 3 * _NS).astype(jnp.int32)
    band_ok = (jnp.abs(rband + q - j) <= 1) & (rcol + w0 <= _S - 1)
    rmod = rcol - rband * _NS
    return pjt, pj, band_ok, rmod


def _affinities_w(icol_ref, pixs, centwc, centwk, band_ok, rmod):
    (pch, pcl), (pkh, pkl) = pixs
    d = _dot3p(*_split(centwc), pch, pcl, ((0,), (0,)))
    d += _dot3p(*_split(centwk * 10.0), pkh, pkl, ((0,), (0,)))
    c2 = (jnp.sum(centwc * centwc, axis=0, keepdims=True)
          + 10.0 * jnp.sum(centwk * centwk, axis=0, keepdims=True))
    dist = _dot_e(c2, jnp.ones((1, _STRIP), jnp.float32),
                  ((0,), (0,))) - 2.0 * d
    maskb = (jnp.abs(rmod - icol_ref[...]) <= 1) & band_ok
    mmin = jnp.min(jnp.where(maskb, dist, 1e30), axis=0, keepdims=True)
    z = jnp.where(maskb, mmin - dist, -1e9)
    e = jnp.exp(z)
    return e / jnp.sum(e, axis=0, keepdims=True)


def _pool_kernel(mpool_ref, xc_ref, xk_ref, cent_ref):
    j = pl.program_id(1)
    rowc = jnp.sum(xc_ref[0], axis=1)
    rowk = jnp.sum(xk_ref[0], axis=1)
    mp = mpool_ref[...]
    cellc = _dot_e(rowc, mp, ((1,), (0,))) * (1.0 / 256.0)
    cellk = _dot_e(rowk, mp, ((1,), (0,))) * (1.0 / 256.0)
    trow = lax.broadcasted_iota(jnp.int32, (_NS, _S), 0)
    scol = lax.broadcasted_iota(jnp.int32, (_NS, _S), 1)
    ej = (scol == trow + j * _NS).astype(jnp.float32)
    fc = _dot_e(cellc, ej, ((1,), (0,)))
    fk = _dot_e(cellk, ej, ((1,), (0,)))

    @pl.when(j == 0)
    def _init():
        cent_ref[0, :_C1, :] = fc
        cent_ref[0, _C1:, :] = fk

    @pl.when(j != 0)
    def _acc():
        cent_ref[0, :_C1, :] += fc
        cent_ref[0, _C1:, :] += fk


def _iter1_kernel(icol_ref, xc_ref, xk_ref, cent_ref, num_ref, den_ref):
    j = pl.program_id(1)
    pjt, pj, band_ok, rmod = _window(j)
    pixs = (_split(xc_ref[0]), _split(xk_ref[0]))
    centwc = _dot_e(cent_ref[0, :_C1, :], pjt, ((1,), (0,)))
    centwk = _dot_e(cent_ref[0, _C1:, :], pjt, ((1,), (0,)))
    aff = _affinities_w(icol_ref, pixs, centwc, centwk, band_ok, rmod)
    ah, al = _split(aff)
    afth, aftl = ah.T, al.T
    (pch, pcl), (pkh, pkl) = pixs
    ncw = _dot3p(pch, pcl, afth, aftl, ((1,), (0,)))
    nkw = _dot3p(pkh, pkl, afth, aftl, ((1,), (0,)))
    ddenw = jnp.sum(aff, axis=1, keepdims=True)
    nc = _dot_e(ncw, pj, ((1,), (0,)))
    nk = _dot_e(nkw, pj, ((1,), (0,)))
    dden = _dot_e2(pjt, ddenw, ((1,), (0,)))

    @pl.when(j == 0)
    def _init():
        num_ref[0, :_C1, :] = nc
        num_ref[0, _C1:, :] = nk
        den_ref[0] = dden

    @pl.when(j != 0)
    def _acc():
        num_ref[0, :_C1, :] += nc
        num_ref[0, _C1:, :] += nk
        den_ref[0] += dden


def _iter2_kernel(icol_ref, xc_ref, xk_ref, num_ref, den_ref, out_ref):
    j = pl.program_id(1)
    pjt, pj, band_ok, rmod = _window(j)
    numwc = _dot_e(num_ref[0, :_C1, :], pjt, ((1,), (0,)))
    numwk = _dot_e(num_ref[0, _C1:, :], pjt, ((1,), (0,)))
    denw = _dot_e2(pj, den_ref[0], ((1,), (0,)))
    r = (1.0 / (denw + 1e-16)).T
    pixs = (_split(xc_ref[0]), _split(xk_ref[0]))
    aff = _affinities_w(icol_ref, pixs, numwc * r, numwk * r, band_ok, rmod)
    out_ref[0, 0] = _dot_e2(pjt, aff, ((1,), (0,)))


def kernel(x, x_contrast, stoken_size):
    del stoken_size
    b = x.shape[0]
    xr = x.reshape(b, _C1, _W * _W)
    xkr = x_contrast.reshape(b, _C1, _W * _W)

    icol = ((jnp.arange(_STRIP, dtype=jnp.int32) % _W) // _ST)[None, :]
    mpool = ((jnp.arange(_W, dtype=jnp.int32) // _ST)[:, None]
             == jnp.arange(_NS, dtype=jnp.int32)[None, :]
             ).astype(jnp.float32)

    grid = (b, _NSTRIP)
    strip_spec = pl.BlockSpec((1, _C1, _STRIP), lambda bb, j: (bb, 0, j))
    whole = lambda shape: pl.BlockSpec(shape, lambda bb, j: (0,) * len(shape))
    params = pltpu.CompilerParams(
        dimension_semantics=("arbitrary", "arbitrary"))

    strip4_spec = pl.BlockSpec((1, _C1, _ST, _W), lambda bb, j: (bb, 0, j, 0))
    cent = pl.pallas_call(
        _pool_kernel,
        grid=grid,
        in_specs=[whole((_W, _NS)), strip4_spec, strip4_spec],
        out_specs=pl.BlockSpec((1, 2 * _C1, _S), lambda bb, j: (bb, 0, 0)),
        out_shape=jax.ShapeDtypeStruct((b, 2 * _C1, _S), jnp.float32),
        compiler_params=params,
    )(mpool, x, x_contrast)

    num = jnp.full((b, 2 * _C1, _S), 0.5, jnp.float32)
    den = jnp.full((b, _S, 1), 2.0, jnp.float32)
    num2, den2 = pl.pallas_call(
        _iter1_kernel,
        grid=grid,
        in_specs=[whole((1, _STRIP)), strip_spec, strip_spec,
                  pl.BlockSpec((1, 2 * _C1, _S), lambda bb, j: (bb, 0, 0))],
        out_specs=[pl.BlockSpec((1, 2 * _C1, _S), lambda bb, j: (bb, 0, 0)),
                   pl.BlockSpec((1, _S, 1), lambda bb, j: (bb, 0, 0))],
        out_shape=[jax.ShapeDtypeStruct((b, 2 * _C1, _S), jnp.float32),
                   jax.ShapeDtypeStruct((b, _S, 1), jnp.float32)],
        compiler_params=params,
    )(icol, xr, xkr, cent)

    out = pl.pallas_call(
        _iter2_kernel,
        grid=grid,
        in_specs=[whole((1, _STRIP)), strip_spec, strip_spec,
                  pl.BlockSpec((1, 2 * _C1, _S), lambda bb, j: (bb, 0, 0)),
                  pl.BlockSpec((1, _S, 1), lambda bb, j: (bb, 0, 0))],
        out_specs=pl.BlockSpec((1, 1, _S, _STRIP), lambda bb, j: (bb, j, 0, 0)),
        out_shape=jax.ShapeDtypeStruct((b, _NSTRIP, _S, _STRIP), jnp.float32),
        compiler_params=params,
    )(icol, xr, xkr, num, den)

    out = out.transpose(0, 2, 1, 3).reshape(b, _S, _W * _W)
    return out, _S

# --- scband reference (transcript-rebuilt; emitter-appended) ---
"""Pipeline reference for scband-sip-21938692948270 (READ-ONLY COPY).

The authoritative reference and input builder live on the scoring server;
editing this copy changes nothing except your own understanding.
"""

import jax, jax.numpy as jnp
import numpy as np

N_ITER = 2

def _pairwise_dist(pix, spix, init_label, nsw, nsh, c_split):
    # pix: (B, C, P); spix: (B, C, S); init_label: (B, P) int
    B, C, P = pix.shape
    S = nsw * nsh
    lx = init_label % nsw
    ly = init_label // nsw
    color_d = []
    contrast_d = []
    big = jnp.float32(1e16)
    for dy in (-1, 0, 1):
        for dx in (-1, 0, 1):
            nx = lx + dx
            ny = ly + dy
            valid = (nx >= 0) & (nx < nsw) & (ny >= 0) & (ny < nsh)
            nidx = jnp.clip(ny * nsw + nx, 0, S - 1)
            g = jax.vmap(lambda sf, ix: sf[:, ix])(spix, nidx)  # (B, C, P) gather
            d2 = (pix - g) ** 2
            cd = d2[:, :c_split].sum(1)
            kd = d2[:, c_split:].sum(1)
            color_d.append(jnp.where(valid, cd, big))
            contrast_d.append(jnp.where(valid, kd, big))
    return jnp.stack(color_d, 1), jnp.stack(contrast_d, 1)  # (B, 9, P)

def _dense_affinity(aff, abs_spix, S):
    # mimics sparse_coo_tensor(abs_indices[:, mask], aff[mask]).to_dense()
    B, nine, P = aff.shape
    mask = (abs_spix >= 0) & (abs_spix < S)
    s = jnp.where(mask, abs_spix, 0)
    v = jnp.where(mask, aff, 0.0)
    b = jnp.broadcast_to(jnp.arange(B)[:, None, None], aff.shape)
    p = jnp.broadcast_to(jnp.arange(P)[None, None, :], aff.shape)
    out = jnp.zeros((B, S, P), jnp.float32)
    out = out.at[b.reshape(-1), s.reshape(-1), p.reshape(-1)].add(v.reshape(-1))
    return out

def _ssn(x, x_contrast, stoken):
    B, C1, H, W = x.shape
    C2 = x_contrast.shape[1]
    nsh, nsw = H // stoken, W // stoken
    S = nsh * nsw
    comb = jnp.concatenate([x, x_contrast], axis=1)
    C = C1 + C2
    # adaptive_avg_pool2d with exact divisibility == strided mean pooling
    cent = comb.reshape(B, C, nsh, H // nsh, nsw, W // nsw).mean(axis=(3, 5))
    spix = cent.reshape(B, C, S)
    labels = jnp.arange(S, dtype=jnp.int32).reshape(nsh, nsw)
    init_label = jnp.repeat(jnp.repeat(labels, H // nsh, axis=0), W // nsw, axis=1).reshape(-1)
    init_label = jnp.broadcast_to(init_label[None, :], (B, H * W))
    pix = comb.reshape(B, C, H * W)
    rel = jnp.array([dy * nsw + dx for dy in (-1, 0, 1) for dx in (-1, 0, 1)], dtype=jnp.int32)
    abs_spix = init_label[:, None, :] + rel[None, :, None]  # (B, 9, P)
    abs_aff = None
    for k in range(N_ITER):
        cd, kd = _pairwise_dist(pix, spix, init_label, nsw, nsh, C1)
        dist = cd + 10.0 * kd
        aff = jax.nn.softmax(-dist, axis=1)
        abs_aff = _dense_affinity(aff, abs_spix, S)
        if k < N_ITER - 1:
            num = jnp.einsum('bsp,bcp->bsc', abs_aff, pix)
            denom = abs_aff.sum(2, keepdims=True) + 1e-16
            spix = (num / denom).transpose(0, 2, 1)
    return abs_aff, S

def setup_inputs(seed: int = 0):
    key = jax.random.key(seed)
    k1, k2 = jax.random.split(key)
    x = jax.random.normal(k1, (2, 96, 224, 224), dtype=jnp.float32)
    x_contrast = jax.random.normal(k2, (2, 96, 224, 224), dtype=jnp.float32)
    return {"x": x, "x_contrast": x_contrast, "stoken_size": 16}

def reference(x, x_contrast, stoken_size):
    # SIP.forward -> (soft_association (B, num_spixels, H*W), num_spixels)
    stoken = 16
    x = x + jnp.asarray(stoken_size - stoken).astype(x.dtype)
    return _ssn(x, x_contrast, stoken)

if __name__ == "__main__":
    import jax
    _d = setup_inputs()
    print(jax.jit(kernel)(*tuple(_d.values())))

</pallas_src>

<mosaic_0001>
module attributes {stable_mosaic.version = 14 : i64} {
  func.func @_iter2_kernel(%arg0: i32, %arg1: i32, %arg2: memref<1x3584xi32, #tpu.memory_space<vmem>>, %arg3: memref<1x96x3584xf32, #tpu.memory_space<vmem>>, %arg4: memref<1x96x3584xf32, #tpu.memory_space<vmem>>, %arg5: memref<1x192x196xf32, #tpu.memory_space<vmem>>, %arg6: memref<1x196x1xf32, #tpu.memory_space<vmem>>, %arg7: memref<1x1x196x3584xf32, #tpu.memory_space<vmem>>) attributes {dimension_semantics = [#tpu.dimension_semantics<arbitrary>, #tpu.dimension_semantics<arbitrary>], iteration_bounds = array<i64: 2, 14>, scalar_prefetch = 0 : i64, scratch_operands = 0 : i64, tpu.core_type = #tpu.core_type<tc>, window_params = [{pipeline_mode = #tpu.pipeline_mode<synchronous>, transform_indices = @transform_0, window_bounds = array<i64: 1, 3584>}, {transform_indices = @transform_1, window_bounds = array<i64: 1, 96, 3584>}, {transform_indices = @transform_2, window_bounds = array<i64: 1, 96, 3584>}, {transform_indices = @transform_3, window_bounds = array<i64: 1, 192, 196>}, {transform_indices = @transform_4, window_bounds = array<i64: 1, 196, 1>}, {transform_indices = @transform_5, window_bounds = array<i64: 1, 1, 196, 3584>}]} {
    %sub3A = arith.constant 1 : i32
    %sub3A_0 = arith.subi %arg1, %sub3A : i32
    %jit3A = arith.constant 0 : i32
    %jit3A_1 = arith.constant 11 : i32
    %max3A = arith.maxsi %jit3A, %sub3A_0 : i32
    %min3A = arith.minsi %jit3A_1, %max3A : i32
    %mul3A = arith.constant 14 : i32
    %mul3A_2 = arith.muli %min3A, %mul3A : i32
    %iota3A = tpu.iota {dimensions = array<i32: 0>} : vector<196x48xi32>
    %iota3A_3 = tpu.iota {dimensions = array<i32: 1>} : vector<196x48xi32>
    %add3A = vector.broadcast %mul3A_2 : i32 to vector<196x48xi32>
    %add3A_4 = arith.addi %iota3A_3, %add3A : vector<196x48xi32>
    %eq3A = arith.cmpi eq, %iota3A, %add3A_4 : vector<196x48xi32>
    %convert_element_type3A = arith.extui %eq3A : vector<196x48xi1> to vector<196x48xi32>
    %convert_element_type3A_5 = arith.sitofp %convert_element_type3A : vector<196x48xi32> to vector<196x48xf32>
    %iota3A_6 = tpu.iota {dimensions = array<i32: 1>} : vector<48x196xi32>
    %iota3A_7 = tpu.iota {dimensions = array<i32: 0>} : vector<48x196xi32>
    %add3A_8 = vector.broadcast %mul3A_2 : i32 to vector<48x196xi32>
    %add3A_9 = arith.addi %iota3A_7, %add3A_8 : vector<48x196xi32>
    %eq3A_10 = arith.cmpi eq, %iota3A_6, %add3A_9 : vector<48x196xi32>
    %convert_element_type3A_11 = arith.extui %eq3A_10 : vector<48x196xi1> to vector<48x196xi32>
    %convert_element_type3A_12 = arith.sitofp %convert_element_type3A_11 : vector<48x196xi32> to vector<48x196xf32>
    %iota3A_13 = tpu.iota {dimensions = array<i32: 0>} : vector<48x1xi32>
    %ge3A = arith.constant 14 : i32
    %ge3A_14 = vector.broadcast %ge3A : i32 to vector<48x1xi32>
    %ge3A_15 = arith.cmpi sge, %iota3A_13, %ge3A_14 : vector<48x1xi32>
    %convert_element_type3A_16 = arith.extui %ge3A_15 : vector<48x1xi1> to vector<48x1xi32>
    %ge3A_17 = arith.constant 28 : i32
    %ge3A_18 = vector.broadcast %ge3A_17 : i32 to vector<48x1xi32>
    %ge3A_19 = arith.cmpi sge, %iota3A_13, %ge3A_18 : vector<48x1xi32>
    %convert_element_type3A_20 = arith.extui %ge3A_19 : vector<48x1xi1> to vector<48x1xi32>
    %add3A_21 = arith.addi %convert_element_type3A_16, %convert_element_type3A_20 : vector<48x1xi32>
    %ge3A_22 = arith.constant 42 : i32
    %ge3A_23 = vector.broadcast %ge3A_22 : i32 to vector<48x1xi32>
    %ge3A_24 = arith.cmpi sge, %iota3A_13, %ge3A_23 : vector<48x1xi32>
    %convert_element_type3A_25 = arith.extui %ge3A_24 : vector<48x1xi1> to vector<48x1xi32>
    %add3A_26 = arith.addi %add3A_21, %convert_element_type3A_25 : vector<48x1xi32>
    %add3A_27 = vector.broadcast %min3A : i32 to vector<48x1xi32>
    %add3A_28 = arith.addi %add3A_26, %add3A_27 : vector<48x1xi32>
    %sub3A_29 = vector.broadcast %arg1 : i32 to vector<48x1xi32>
    %sub3A_30 = arith.subi %add3A_28, %sub3A_29 : vector<48x1xi32>
    %abs3A = math.absi %sub3A_30 : vector<48x1xi32>
    %le3A = arith.constant 1 : i32
    %le3A_31 = vector.broadcast %le3A : i32 to vector<48x1xi32>
    %le3A_32 = arith.cmpi sle, %abs3A, %le3A_31 : vector<48x1xi32>
    %add3A_33 = vector.broadcast %mul3A_2 : i32 to vector<48x1xi32>
    %add3A_34 = arith.addi %iota3A_13, %add3A_33 : vector<48x1xi32>
    %le3A_35 = arith.constant 195 : i32
    %le3A_36 = vector.broadcast %le3A_35 : i32 to vector<48x1xi32>
    %le3A_37 = arith.cmpi sle, %add3A_34, %le3A_36 : vector<48x1xi32>
    %and3A = arith.andi %le3A_32, %le3A_37 : vector<48x1xi1>
    %mul3A_38 = arith.constant 14 : i32
    %mul3A_39 = vector.broadcast %mul3A_38 : i32 to vector<48x1xi32>
    %mul3A_40 = arith.muli %add3A_26, %mul3A_39 : vector<48x1xi32>
    %sub3A_41 = arith.subi %iota3A_13, %mul3A_40 : vector<48x1xi32>
    %get3A = arith.constant 0 : index
    %get3A_42 = arith.constant 0 : index
    %get3A_43 = arith.constant 0 : index
    %get3A_44 = vector.load %arg5[%get3A, %get3A_42, %get3A_43] : memref<1x192x196xf32, #tpu.memory_space<vmem>>, vector<1x96x196xf32>
    %get3A_45 = vector.shape_cast %get3A_44 : vector<1x96x196xf32> to vector<96x196xf32>
    %convert_element_type3A_46 = arith.truncf %get3A_45 : vector<96x196xf32> to vector<96x196xbf16>
    %convert_element_type3A_47 = arith.extf %convert_element_type3A_46 : vector<96x196xbf16> to vector<96x196xf32>
    %sub3A_48 = arith.subf %get3A_45, %convert_element_type3A_47 : vector<96x196xf32>
    %convert_element_type3A_49 = arith.truncf %sub3A_48 : vector<96x196xf32> to vector<96x196xbf16>
    %convert_element_type3A_50 = arith.truncf %convert_element_type3A_5 : vector<196x48xf32> to vector<196x48xbf16>
    %dot_general3A = arith.constant dense<0.000000e+00> : vector<96x48xf32>
    %dot_general3A_51 = tpu.matmul %convert_element_type3A_46, %convert_element_type3A_50, %dot_general3A {dimension_numbers = #tpu.dot_dimension_numbers<[1], [0], [0], [1], [0, 0, 1, 1], [], []>, transpose_lhs_hint = false} : vector<96x196xbf16>, vector<196x48xbf16>, vector<96x48xf32> -> vector<96x48xf32>
    %dot_general3A_52 = arith.constant dense<0.000000e+00> : vector<96x48xf32>
    %dot_general3A_53 = tpu.matmul %convert_element_type3A_49, %convert_element_type3A_50, %dot_general3A_52 {dimension_numbers = #tpu.dot_dimension_numbers<[1], [0], [0], [1], [0, 0, 1, 1], [], []>, transpose_lhs_hint = false} : vector<96x196xbf16>, vector<196x48xbf16>, vector<96x48xf32> -> vector<96x48xf32>
    %add3A_54 = arith.addf %dot_general3A_51, %dot_general3A_53 : vector<96x48xf32>
    %get3A_55 = arith.constant 0 : index
    %get3A_56 = arith.constant 96 : index
    %get3A_57 = arith.constant 0 : index
    %get3A_58 = vector.load %arg5[%get3A_55, %get3A_56, %get3A_57] : memref<1x192x196xf32, #tpu.memory_space<vmem>>, vector<1x96x196xf32>
    %get3A_59 = vector.shape_cast %get3A_58 : vector<1x96x196xf32> to vector<96x196xf32>
    %convert_element_type3A_60 = arith.truncf %get3A_59 : vector<96x196xf32> to vector<96x196xbf16>
    %convert_element_type3A_61 = arith.extf %convert_element_type3A_60 : vector<96x196xbf16> to vector<96x196xf32>
    %sub3A_62 = arith.subf %get3A_59, %convert_element_type3A_61 : vector<96x196xf32>
    %convert_element_type3A_63 = arith.truncf %sub3A_62 : vector<96x196xf32> to vector<96x196xbf16>
    %convert_element_type3A_64 = arith.truncf %convert_element_type3A_5 : vector<196x48xf32> to vector<196x48xbf16>
    %dot_general3A_65 = arith.constant dense<0.000000e+00> : vector<96x48xf32>
    %dot_general3A_66 = tpu.matmul %convert_element_type3A_60, %convert_element_type3A_64, %dot_general3A_65 {dimension_numbers = #tpu.dot_dimension_numbers<[1], [0], [0], [1], [0, 0, 1, 1], [], []>, transpose_lhs_hint = false} : vector<96x196xbf16>, vector<196x48xbf16>, vector<96x48xf32> -> vector<96x48xf32>
    %dot_general3A_67 = arith.constant dense<0.000000e+00> : vector<96x48xf32>
    %dot_general3A_68 = tpu.matmul %convert_element_type3A_63, %convert_element_type3A_64, %dot_general3A_67 {dimension_numbers = #tpu.dot_dimension_numbers<[1], [0], [0], [1], [0, 0, 1, 1], [], []>, transpose_lhs_hint = false} : vector<96x196xbf16>, vector<196x48xbf16>, vector<96x48xf32> -> vector<96x48xf32>
    %add3A_69 = arith.addf %dot_general3A_66, %dot_general3A_68 : vector<96x48xf32>
    %get3A_70 = arith.constant 0 : index
    %get3A_71 = arith.constant 0 : index
    %get3A_72 = arith.constant 0 : index
    %get3A_73 = vector.load %arg6[%get3A_70, %get3A_71, %get3A_72] : memref<1x196x1xf32, #tpu.memory_space<vmem>>, vector<1x196x1xf32>
    %get3A_74 = vector.shape_cast %get3A_73 : vector<1x196x1xf32> to vector<196x1xf32>
    %convert_element_type3A_75 = arith.truncf %convert_element_type3A_12 : vector<48x196xf32> to vector<48x196xbf16>
    %convert_element_type3A_76 = arith.truncf %get3A_74 : vector<196x1xf32> to vector<196x1xbf16>
    %convert_element_type3A_77 = arith.extf %convert_element_type3A_76 : vector<196x1xbf16> to vector<196x1xf32>
    %sub3A_78 = arith.subf %get3A_74, %convert_element_type3A_77 : vector<196x1xf32>
    %convert_element_type3A_79 = arith.truncf %sub3A_78 : vector<196x1xf32> to vector<196x1xbf16>
    %dot_general3A_80 = arith.constant dense<0.000000e+00> : vector<48x1xf32>
    %dot_general3A_81 = tpu.matmul %convert_element_type3A_75, %convert_element_type3A_76, %dot_general3A_80 {dimension_numbers = #tpu.dot_dimension_numbers<[1], [0], [0], [1], [0, 0, 1, 1], [], []>, transpose_lhs_hint = false} : vector<48x196xbf16>, vector<196x1xbf16>, vector<48x1xf32> -> vector<48x1xf32>
    %dot_general3A_82 = arith.constant dense<0.000000e+00> : vector<48x1xf32>
    %dot_general3A_83 = tpu.matmul %convert_element_type3A_75, %convert_element_type3A_79, %dot_general3A_82 {dimension_numbers = #tpu.dot_dimension_numbers<[1], [0], [0], [1], [0, 0, 1, 1], [], []>, transpose_lhs_hint = false} : vector<48x196xbf16>, vector<196x1xbf16>, vector<48x1xf32> -> vector<48x1xf32>
    %add3A_84 = arith.addf %dot_general3A_81, %dot_general3A_83 : vector<48x1xf32>
    %add3A_85 = arith.constant 1.000000e-16 : f32
    %add3A_86 = vector.broadcast %add3A_85 : f32 to vector<48x1xf32>
    %add3A_87 = arith.addf %add3A_84, %add3A_86 : vector<48x1xf32>
    %div3A = arith.constant 1.000000e+00 : f32
    %div3A_88 = vector.broadcast %div3A : f32 to vector<48x1xf32>
    %div3A_89 = arith.divf %div3A_88, %add3A_87 : vector<48x1xf32>
    %transpose3A = tpu.transpose %div3A_89, [1, 0] : vector<48x1xf32> -> vector<1x48xf32>
    %get3A_90 = arith.constant 0 : index
    %get3A_91 = arith.constant 0 : index
    %get3A_92 = arith.constant 0 : index
    %get3A_93 = vector.load %arg3[%get3A_90, %get3A_91, %get3A_92] : memref<1x96x3584xf32, #tpu.memory_space<vmem>>, vector<1x96x3584xf32>
    %get3A_94 = vector.shape_cast %get3A_93 : vector<1x96x3584xf32> to vector<96x3584xf32>
    %convert_element_type3A_95 = arith.truncf %get3A_94 : vector<96x3584xf32> to vector<96x3584xbf16>
    %convert_element_type3A_96 = arith.extf %convert_element_type3A_95 : vector<96x3584xbf16> to vector<96x3584xf32>
    %sub3A_97 = arith.subf %get3A_94, %convert_element_type3A_96 : vector<96x3584xf32>
    %convert_element_type3A_98 = arith.truncf %sub3A_97 : vector<96x3584xf32> to vector<96x3584xbf16>
    %get3A_99 = arith.constant 0 : index
    %get3A_100 = arith.constant 0 : index
    %get3A_101 = arith.constant 0 : index
    %get3A_102 = vector.load %arg4[%get3A_99, %get3A_100, %get3A_101] : memref<1x96x3584xf32, #tpu.memory_space<vmem>>, vector<1x96x3584xf32>
    %get3A_103 = vector.shape_cast %get3A_102 : vector<1x96x3584xf32> to vector<96x3584xf32>
    %convert_element_type3A_104 = arith.truncf %get3A_103 : vector<96x3584xf32> to vector<96x3584xbf16>
    %convert_element_type3A_105 = arith.extf %convert_element_type3A_104 : vector<96x3584xbf16> to vector<96x3584xf32>
    %sub3A_106 = arith.subf %get3A_103, %convert_element_type3A_105 : vector<96x3584xf32>
    %convert_element_type3A_107 = arith.truncf %sub3A_106 : vector<96x3584xf32> to vector<96x3584xbf16>
    %mul3A_108 = vector.broadcast %transpose3A : vector<1x48xf32> to vector<96x48xf32>
    %mul3A_109 = arith.mulf %add3A_54, %mul3A_108 : vector<96x48xf32>
    %mul3A_110 = vector.broadcast %transpose3A : vector<1x48xf32> to vector<96x48xf32>
    %mul3A_111 = arith.mulf %add3A_69, %mul3A_110 : vector<96x48xf32>
    %convert_element_type3A_112 = arith.truncf %mul3A_109 : vector<96x48xf32> to vector<96x48xbf16>
    %convert_element_type3A_113 = arith.extf %convert_element_type3A_112 : vector<96x48xbf16> to vector<96x48xf32>
    %sub3A_114 = arith.subf %mul3A_109, %convert_element_type3A_113 : vector<96x48xf32>
    %convert_element_type3A_115 = arith.truncf %sub3A_114 : vector<96x48xf32> to vector<96x48xbf16>
    %dot_general3A_116 = arith.constant dense<0.000000e+00> : vector<48x3584xf32>
    %dot_general3A_117 = tpu.matmul %convert_element_type3A_112, %convert_element_type3A_95, %dot_general3A_116 {dimension_numbers = #tpu.dot_dimension_numbers<[0], [0], [1], [1], [0, 1, 1, 1], [], []>, transpose_lhs_hint = false} : vector<96x48xbf16>, vector<96x3584xbf16>, vector<48x3584xf32> -> vector<48x3584xf32>
    %dot_general3A_118 = arith.constant dense<0.000000e+00> : vector<48x3584xf32>
    %dot_general3A_119 = tpu.matmul %convert_element_type3A_112, %convert_element_type3A_98, %dot_general3A_118 {dimension_numbers = #tpu.dot_dimension_numbers<[0], [0], [1], [1], [0, 1, 1, 1], [], []>, transpose_lhs_hint = false} : vector<96x48xbf16>, vector<96x3584xbf16>, vector<48x3584xf32> -> vector<48x3584xf32>
    %add3A_120 = arith.addf %dot_general3A_117, %dot_general3A_119 : vector<48x3584xf32>
    %dot_general3A_121 = arith.constant dense<0.000000e+00> : vector<48x3584xf32>
    %dot_general3A_122 = tpu.matmul %convert_element_type3A_115, %convert_element_type3A_95, %dot_general3A_121 {dimension_numbers = #tpu.dot_dimension_numbers<[0], [0], [1], [1], [0, 1, 1, 1], [], []>, transpose_lhs_hint = false} : vector<96x48xbf16>, vector<96x3584xbf16>, vector<48x3584xf32> -> vector<48x3584xf32>
    %add3A_123 = arith.addf %add3A_120, %dot_general3A_122 : vector<48x3584xf32>
    %mul3A_124 = arith.constant 1.000000e+01 : f32
    %mul3A_125 = vector.broadcast %mul3A_124 : f32 to vector<96x48xf32>
    %mul3A_126 = arith.mulf %mul3A_111, %mul3A_125 : vector<96x48xf32>
    %convert_element_type3A_127 = arith.truncf %mul3A_126 : vector<96x48xf32> to vector<96x48xbf16>
    %convert_element_type3A_128 = arith.extf %convert_element_type3A_127 : vector<96x48xbf16> to vector<96x48xf32>
    %sub3A_129 = arith.subf %mul3A_126, %convert_element_type3A_128 : vector<96x48xf32>
    %convert_element_type3A_130 = arith.truncf %sub3A_129 : vector<96x48xf32> to vector<96x48xbf16>
    %dot_general3A_131 = arith.constant dense<0.000000e+00> : vector<48x3584xf32>
    %dot_general3A_132 = tpu.matmul %convert_element_type3A_127, %convert_element_type3A_104, %dot_general3A_131 {dimension_numbers = #tpu.dot_dimension_numbers<[0], [0], [1], [1], [0, 1, 1, 1], [], []>, transpose_lhs_hint = false} : vector<96x48xbf16>, vector<96x3584xbf16>, vector<48x3584xf32> -> vector<48x3584xf32>
    %dot_general3A_133 = arith.constant dense<0.000000e+00> : vector<48x3584xf32>
    %dot_general3A_134 = tpu.matmul %convert_element_type3A_127, %convert_element_type3A_107, %dot_general3A_133 {dimension_numbers = #tpu.dot_dimension_numbers<[0], [0], [1], [1], [0, 1, 1, 1], [], []>, transpose_lhs_hint = false} : vector<96x48xbf16>, vector<96x3584xbf16>, vector<48x3584xf32> -> vector<48x3584xf32>
    %add3A_135 = arith.addf %dot_general3A_132, %dot_general3A_134 : vector<48x3584xf32>
    %dot_general3A_136 = arith.constant dense<0.000000e+00> : vector<48x3584xf32>
    %dot_general3A_137 = tpu.matmul %convert_element_type3A_130, %convert_element_type3A_104, %dot_general3A_136 {dimension_numbers = #tpu.dot_dimension_numbers<[0], [0], [1], [1], [0, 1, 1, 1], [], []>, transpose_lhs_hint = false} : vector<96x48xbf16>, vector<96x3584xbf16>, vector<48x3584xf32> -> vector<48x3584xf32>
    %add3A_138 = arith.addf %add3A_135, %dot_general3A_137 : vector<48x3584xf32>
    %add3A_139 = arith.addf %add3A_123, %add3A_138 : vector<48x3584xf32>
    %mul3A_140 = arith.mulf %mul3A_109, %mul3A_109 : vector<96x48xf32>
    %reduce_sum3A = arith.constant dense<0.000000e+00> : vector<48xf32>
    %reduce_sum3A_141 = vector.multi_reduction <add>, %mul3A_140, %reduce_sum3A [0] : vector<96x48xf32> to vector<48xf32>
    %broadcast_in_dim3A = vector.shape_cast %reduce_sum3A_141 : vector<48xf32> to vector<1x48xf32>
    %mul3A_142 = arith.mulf %mul3A_111, %mul3A_111 : vector<96x48xf32>
    %reduce_sum3A_143 = arith.constant dense<0.000000e+00> : vector<48xf32>
    %reduce_sum3A_144 = vector.multi_reduction <add>, %mul3A_142, %reduce_sum3A_143 [0] : vector<96x48xf32> to vector<48xf32>
    %broadcast_in_dim3A_145 = vector.shape_cast %reduce_sum3A_144 : vector<48xf32> to vector<1x48xf32>
    %mul3A_146 = arith.constant 1.000000e+01 : f32
    %mul3A_147 = vector.broadcast %mul3A_146 : f32 to vector<1x48xf32>
    %mul3A_148 = arith.mulf %mul3A_147, %broadcast_in_dim3A_145 : vector<1x48xf32>
    %add3A_149 = arith.addf %broadcast_in_dim3A, %mul3A_148 : vector<1x48xf32>
    %broadcast_in_dim3A_150 = arith.constant 1.000000e+00 : f32
    %broadcast_in_dim3A_151 = vector.broadcast %broadcast_in_dim3A_150 : f32 to vector<1x3584xf32>
    %convert_element_type3A_152 = arith.truncf %add3A_149 : vector<1x48xf32> to vector<1x48xbf16>
    %convert_element_type3A_153 = arith.extf %convert_element_type3A_152 : vector<1x48xbf16> to vector<1x48xf32>
    %sub3A_154 = arith.subf %add3A_149, %convert_element_type3A_153 : vector<1x48xf32>
    %convert_element_type3A_155 = arith.truncf %sub3A_154 : vector<1x48xf32> to vector<1x48xbf16>
    %convert_element_type3A_156 = arith.truncf %broadcast_in_dim3A_151 : vector<1x3584xf32> to vector<1x3584xbf16>
    %dot_general3A_157 = arith.constant dense<0.000000e+00> : vector<48x3584xf32>
    %dot_general3A_158 = tpu.matmul %convert_element_type3A_152, %convert_element_type3A_156, %dot_general3A_157 {dimension_numbers = #tpu.dot_dimension_numbers<[0], [0], [1], [1], [0, 1, 1, 1], [], []>, transpose_lhs_hint = false} : vector<1x48xbf16>, vector<1x3584xbf16>, vector<48x3584xf32> -> vector<48x3584xf32>
    %dot_general3A_159 = arith.constant dense<0.000000e+00> : vector<48x3584xf32>
    %dot_general3A_160 = tpu.matmul %convert_element_type3A_155, %convert_element_type3A_156, %dot_general3A_159 {dimension_numbers = #tpu.dot_dimension_numbers<[0], [0], [1], [1], [0, 1, 1, 1], [], []>, transpose_lhs_hint = false} : vector<1x48xbf16>, vector<1x3584xbf16>, vector<48x3584xf32> -> vector<48x3584xf32>
    %add3A_161 = arith.addf %dot_general3A_158, %dot_general3A_160 : vector<48x3584xf32>
    %mul3A_162 = arith.constant 2.000000e+00 : f32
    %mul3A_163 = vector.broadcast %mul3A_162 : f32 to vector<48x3584xf32>
    %mul3A_164 = arith.mulf %mul3A_163, %add3A_139 : vector<48x3584xf32>
    %sub3A_165 = arith.subf %add3A_161, %mul3A_164 : vector<48x3584xf32>
    %get3A_166 = arith.constant 0 : index
    %get3A_167 = arith.constant 0 : index
    %get3A_168 = vector.load %arg2[%get3A_166, %get3A_167] : memref<1x3584xi32, #tpu.memory_space<vmem>>, vector<1x3584xi32>
    %sub3A_169 = vector.broadcast %sub3A_41 : vector<48x1xi32> to vector<48x3584xi32>
    %sub3A_170 = vector.broadcast %get3A_168 : vector<1x3584xi32> to vector<48x3584xi32>
    %sub3A_171 = arith.subi %sub3A_169, %sub3A_170 : vector<48x3584xi32>
    %abs3A_172 = math.absi %sub3A_171 : vector<48x3584xi32>
    %le3A_173 = arith.constant 1 : i32
    %le3A_174 = vector.broadcast %le3A_173 : i32 to vector<48x3584xi32>
    %le3A_175 = arith.cmpi sle, %abs3A_172, %le3A_174 : vector<48x3584xi32>
    %and3A_176 = vector.broadcast %and3A : vector<48x1xi1> to vector<48x3584xi1>
    %and3A_177 = arith.andi %le3A_175, %and3A_176 : vector<48x3584xi1>
    %jit3A_178 = arith.constant 1.000000e+30 : f32
    %broadcast_in_dim3A_179 = vector.broadcast %jit3A_178 : f32 to vector<48x3584xf32>
    %select_n3A = arith.select %and3A_177, %sub3A_165, %broadcast_in_dim3A_179 : vector<48x3584xi1>, vector<48x3584xf32>
    %reduce_min3A = arith.constant dense<0x7F800000> : vector<3584xf32>
    %reduce_min3A_180 = vector.multi_reduction <minimumf>, %select_n3A, %reduce_min3A [0] : vector<48x3584xf32> to vector<3584xf32>
    %broadcast_in_dim3A_181 = vector.shape_cast %reduce_min3A_180 : vector<3584xf32> to vector<1x3584xf32>
    %sub3A_182 = vector.broadcast %broadcast_in_dim3A_181 : vector<1x3584xf32> to vector<48x3584xf32>
    %sub3A_183 = arith.subf %sub3A_182, %sub3A_165 : vector<48x3584xf32>
    %jit3A_184 = arith.constant -1.000000e+09 : f32
    %broadcast_in_dim3A_185 = vector.broadcast %jit3A_184 : f32 to vector<48x3584xf32>
    %select_n3A_186 = arith.select %and3A_177, %sub3A_183, %broadcast_in_dim3A_185 : vector<48x3584xi1>, vector<48x3584xf32>
    %exp3A = math.exp %select_n3A_186 : vector<48x3584xf32>
    %reduce_sum3A_187 = arith.constant dense<0.000000e+00> : vector<3584xf32>
    %reduce_sum3A_188 = vector.multi_reduction <add>, %exp3A, %reduce_sum3A_187 [0] : vector<48x3584xf32> to vector<3584xf32>
    %broadcast_in_dim3A_189 = vector.shape_cast %reduce_sum3A_188 : vector<3584xf32> to vector<1x3584xf32>
    %div3A_190 = vector.broadcast %broadcast_in_dim3A_189 : vector<1x3584xf32> to vector<48x3584xf32>
    %div3A_191 = arith.divf %exp3A, %div3A_190 : vector<48x3584xf32>
    %convert_element_type3A_192 = arith.truncf %convert_element_type3A_5 : vector<196x48xf32> to vector<196x48xbf16>
    %convert_element_type3A_193 = arith.truncf %div3A_191 : vector<48x3584xf32> to vector<48x3584xbf16>
    %convert_element_type3A_194 = arith.extf %convert_element_type3A_193 : vector<48x3584xbf16> to vector<48x3584xf32>
    %sub3A_195 = arith.subf %div3A_191, %convert_element_type3A_194 : vector<48x3584xf32>
    %convert_element_type3A_196 = arith.truncf %sub3A_195 : vector<48x3584xf32> to vector<48x3584xbf16>
    %dot_general3A_197 = arith.constant dense<0.000000e+00> : vector<196x3584xf32>
    %dot_general3A_198 = tpu.matmul %convert_element_type3A_192, %convert_element_type3A_193, %dot_general3A_197 {dimension_numbers = #tpu.dot_dimension_numbers<[1], [0], [0], [1], [0, 0, 1, 1], [], []>, transpose_lhs_hint = false} : vector<196x48xbf16>, vector<48x3584xbf16>, vector<196x3584xf32> -> vector<196x3584xf32>
    %dot_general3A_199 = arith.constant dense<0.000000e+00> : vector<196x3584xf32>
    %dot_general3A_200 = tpu.matmul %convert_element_type3A_192, %convert_element_type3A_196, %dot_general3A_199 {dimension_numbers = #tpu.dot_dimension_numbers<[1], [0], [0], [1], [0, 0, 1, 1], [], []>, transpose_lhs_hint = false} : vector<196x48xbf16>, vector<48x3584xbf16>, vector<196x3584xf32> -> vector<196x3584xf32>
    %add3A_201 = arith.addf %dot_general3A_198, %dot_general3A_200 : vector<196x3584xf32>
    %swap3A = arith.constant 0 : index
    %swap3A_202 = arith.constant 0 : index
    %swap3A_203 = arith.constant 0 : index
    %swap3A_204 = arith.constant 0 : index
    %swap3A_205 = vector.load %arg7[%swap3A, %swap3A_202, %swap3A_203, %swap3A_204] : memref<1x1x196x3584xf32, #tpu.memory_space<vmem>>, vector<1x1x196x3584xf32>
    %swap3A_206 = vector.shape_cast %swap3A_205 : vector<1x1x196x3584xf32> to vector<196x3584xf32>
    %swap3A_207 = vector.shape_cast %add3A_201 : vector<196x3584xf32> to vector<1x1x196x3584xf32>
    tpu.vector_store %arg7[%swap3A, %swap3A_202, %swap3A_203, %swap3A_204], %swap3A_207 {strides = array<i32>} : memref<1x1x196x3584xf32, #tpu.memory_space<vmem>>, vector<1x1x196x3584xf32>,
    return
  }
  func.func @transform_0(%arg0: i32, %arg1: i32) -> (i32, i32) {
    %c0_i32 = arith.constant 0 : i32
    %c0_i32_0 = arith.constant 0 : i32
    %c0_i32_1 = arith.constant 0 : i32
    return %c0_i32, %c0_i32_0 : i32, i32
  }
  func.func @transform_1(%arg0: i32, %arg1: i32) -> (i32, i32, i32) {
    %c0_i32 = arith.constant 0 : i32
    %c0_i32_0 = arith.constant 0 : i32
    return %arg0, %c0_i32, %arg1 : i32, i32, i32
  }
  func.func @transform_2(%arg0: i32, %arg1: i32) -> (i32, i32, i32) {
    %c0_i32 = arith.constant 0 : i32
    %c0_i32_0 = arith.constant 0 : i32
    return %arg0, %c0_i32, %arg1 : i32, i32, i32
  }
  func.func @transform_3(%arg0: i32, %arg1: i32) -> (i32, i32, i32) {
    %c0_i32 = arith.constant 0 : i32
    %c0_i32_0 = arith.constant 0 : i32
    %c0_i32_1 = arith.constant 0 : i32
    return %arg0, %c0_i32, %c0_i32_0 : i32, i32, i32
  }
  func.func @transform_4(%arg0: i32, %arg1: i32) -> (i32, i32, i32) {
    %c0_i32 = arith.constant 0 : i32
    %c0_i32_0 = arith.constant 0 : i32
    %c0_i32_1 = arith.constant 0 : i32
    return %arg0, %c0_i32, %c0_i32_0 : i32, i32, i32
  }
  func.func @transform_5(%arg0: i32, %arg1: i32) -> (i32, i32, i32, i32) {
    %c0_i32 = arith.constant 0 : i32
    %c0_i32_0 = arith.constant 0 : i32
    %c0_i32_1 = arith.constant 0 : i32
    return %arg0, %arg1, %c0_i32, %c0_i32_0 : i32, i32, i32, i32
  }
}

</mosaic_0001>

<sc_bundles>
// kernel: sparse-core-data-format-call.cloned.1.call-start
scs
called_computation_lowered:
.L_overlay_start_0:
0x0: {  	s1 =	sld [smem:$0x3FD9]  }
0x1: {  	s2 =	sld [smem:$0x3FFE];
	_ =	sdelay $0x1  }
0x2: {  	s3 =	srdreg.scid  }
0x3: {  	s0 =	sand.u32 $0x1, s3  }
0x4: {  	s17 =	sshll.u32 s0, $0xA;
	s1 =	sadd.s32 s2, s1  }
0x5: {  	s1 =	sadd.s32 s1, s17  }
0x6: {  	[smem:$0x3FC6] =	sst s1  }
0x7: {  	_ = 	snop  }
0x8: {  	(tm) =	ssettm $0x1  }
0x9: {  	s18 =	sld [smem:$0x3FFB];
	_ =	sdelay $0x3  }
0xa: {  	_ =	strace s18  }
0xb: {  	s1 =	sld [smem:$0x3FFC];
	_ =	sdelay $0x3  }
0xc: {  	_ =	strace s1  }
0xd: {  	s1 =	sld [smem:$0x3FFD];
	_ =	sdelay $0x3  }
0xe: {  	_ =	strace s1  }
0xf: {  	_ =	strace $0x8FFFFFFF  }
0x10: {  	s19 =	sld [smem:$0x3FDB];
	_ =	sdelay $0x1  }
0x11: {  	s20 =	simm.s32 $_scs_section_size  }
0x12: {  	s4 =	simm.s32 $_size__tile_overlayer_lowered;
	s5 =	simm.s32 $_tile_overlayer_lowered  }
0x13: {  	s23 =	simm.s32 $0x1BFF;
	s22 =	sshll.u32 s5, $0x1;
	s1 =	sadd.s32 s20, s19  }
0x14: {  	s6 =	simm.s32 $0x0;
	s21 =	sshll.u32 s4, $0x1;
	s4 =	sadd.s32 s22, s1  }
0x15: {  	[timem:s6], [sflag:s23] =	dma.local [hbm:s4], s21  }
0x16: {  	_ =	swait.ge [sflag:s23], s21  }
0x17: {  	s2 =	ssub.s32 $0x0, s21;
	[sflag:s23] =	ssyncset.done $0x0  }
0x18: {  	[sflag:s23] =	ssyncadd.s32 s2;
	_ =	sdelay $0x1  }
0x19: {  	s24 =	simm.s32 $0x1B8B  }
0x1a: {  	_ =	swait.ge [sflag:s24], $0x1  }
0x1b: {  	[sflag:s24] =	ssyncset.done $0x0  }
0x1c: {  	s26 =	simm.s32 $0x1B8E;
	s25 =	sld [smem:$0x3FFE];
	[sflag:s24] =	ssyncadd.s32 $0xFFFFFFFF  }
0x1d: {  	s27 =	simm.s32 $execute0_lowered;
	[smem:$0x3FD2] =	sst s26  }
0x1e: {  	s4 =	sshll.u32 s27, $0x1;
	_ =	strace $0x80000046;
	[dreg:$0x1] =	wrdreg $0xFFFFFFFF  }
0x1f: {  	s28 =	simm.s32 $_size_execute0_lowered;
	s1 =	sadd.s32 s1, s4;
	[dreg:$0x0] =	wrdreg $0x0  }
0x20: {  	s4 =	sshll.u32 s28, $0x1;
	[dreg:$0x2] =	wrdreg s1  }
0x21: {  	[dreg:$0x3] =	wrdreg s4  }
0x22: {  	[dreg:$0x4] =	wrdreg $0xC0  }
0x23: {  	_ =	task [dreg:s6], $0x5FFFF  }
0x24: {  	[dreg:$0x1] =	wrdreg $0xFFFFFFFF  }
0x25: {  	[dreg:$0x0] =	wrdreg $0x60  }
0x26: {  	[dreg:$0x2] =	wrdreg s25  }
0x27: {  	[dreg:$0x3] =	wrdreg $0x9  }
0x28: {  	_ =	task.clear_ibuf [dreg:s6], $0x4FFFF;
	_ =	strace $0x90000046  }
0x29: {  	s29 =	simm.s32 $0x9;
	_ =	strace $0x80000048  }
0x2a: {  	_ =	swait.ge [sflag:s29], $0x1  }
0x2b: {  	[sflag:s29] =	ssyncadd.s32 $0xFFFFFFFF  }
0x2c: {  	_ =	strace $0x90000048  }
0x2d: {  	_ =	sfence  }
0x2e: {  	s30 =	sld [smem:$0x0];
	_ =	sdelay $0x2  }
0x2f: {  	s31 =	sshll.u32 s3, $0xD;
	s3 =	sshrl.u32 s3, $0x2  }
0x30: {  	s2 =	sand.u32 $0x4000, s31;
	s1 =	sadd.s32 s3, s30  }
0x31: {  	s0 =	sor.u32 s2, s0;
	s1 =	sshll.u32 s1, $0x11  }
0x32: {  	s0 =	sor.u32 s1, s0  }
0x33: {  	s0 =	sadd.s32 $0x8F2B, s0  }
0x34: {  	[sflag:s0] =	ssyncadd.remote.s32 $0x1  }
0x35: {  	_ =	sfence.sel $0xFFFF  }
0x36: {  	[dreg:$0x0] =	wrdreg $0xFFFFFFFF;
	(pc) =	sbr.abs _section_cstart, $3  }
0x37: {  	[dreg:$0x1] =	wrdreg $0xFFFFFFFF  }
0x38: {  	_ =	task.clear_ibuf [dreg:s6], $0x2FFFF;
	_ =	strace $0x9FFFFFFF  }
0x39: {  	(tm) =	ssettm $0x7FFFFFFF  }
tec
execute0_lowered:
.L_overlay_start_1:
0x0: {  	(tag) =	ssettag $0x1  }
0x1: {  	s5 =	stileid.u32  }
0x2: {  	s0 =	srdreg.scid;
	s4 =	rddreg [dreg:$0x0];
	_ =	strace $0x80000047  }
0x3: {  	s29 =	simm.s32 $0x1;
	s31 =	simm.s32 $0x2;
	s25 =	simm.s32 $0x0  }
0x4: {  	s24 =	simm.s32 $0x0;
	s22 =	simm.s32 $0x0;
	s23 =	simm.s32 $0x0  }
0x5: {  	s16 =	simm.s32 $0x0;
	s1 =	sshll.u32 s5, $0x6;
	s0 =	sshll.u32 s0, $0xA  }
0x6: {  	s13 =	simm.s32 $0x0;
	s14 =	simm.s32 $0x0;
	s0 =	sor.u32 s1, s0  }
0x7: {  	s21 =	simm.s32 $0x0;
	s17 =	simm.s32 $0x0;
	s8 =	sand.u32 $0x700, s0  }
0x8: {  	s9 =	sand.u32 $0x1, s5;
	s27 =	sadd.s32 $0x126400, s4;
	s0 =	ssub.s32 $0xE00, s8  }
0x9: {  	s28 =	sadd.s32 $0x38AC00, s4;
	s26 =	ssub.s32 $0x2, s9;
	s2 =	sand.u32 $0x700, s0  }
0xa: {  	s3 =	sshrl.u32 s26, $0x1;
	p0 =	sne.s32 s2, $0x0;
	s2 =	simm.s32 $0x1  }
0xb: {  	s1 =	sand.u32 $0x1, s26;
	s0 =	sshrl.u32 s0, $0xB;
	s2 =	simm.s32 @!p0 $0x0  }
0xc: {  	[dreg:$0x4] =	wrdreg s27;
	s1 =	sadd.s32 s1, s3;
	s0 =	sadd.s32 s2, s0  }
0xd: {  	s30 =	sshll.u32 s5, $0x2;
	[dreg:$0x5] =	wrdreg s28;
	s0 =	smul.u32 s0, s1  }
.Ltmp0:
0xe: {  	s11 =	sand.u32 $0x8, s30;
	[dreg:$0x3] =	wrdreg s9;
	(pc) =	sbr.rel .LBB1_1-.Ltmp0, $4  }
0xf: {  	[sflag:s29] =	ssyncpa.u1 $0x0;
	[dreg:$0x7] =	wrdreg s11;
	s10 =	smul.u32 $0x19, s0  }
0x10: {  	s20 =	simm.s32 $0x0;
	[sflag:s31] =	ssyncpa.u1 $0x0;
	[dreg:$0x2] =	wrdreg s8  }
0x11: {  	s19 =	smov.u32 s9;
	s12 =	sadd.s32 $0x1, s10;
	[dreg:$0x6] =	wrdreg s10  }
0x12: {  	s18 =	smov.u32 s11;
	s15 =	smov.u32 s8;
	[dreg:$0x8] =	wrdreg s12  }
.LBB1_18:
0x13: {  	s16 =	rddreg [dreg:$0x9]  }
0x14: {  	s3 =	rddreg [dreg:$0xd]  }
0x15: {  	s4 =	rddreg [dreg:$0xf]  }
0x16: {  	s9 =	rddreg [dreg:$0xc]  }
0x17: {  	s0 =	sshrl.u32 s14, $0x3;
	p0 =	sgt.s32 s14, $0x8;
	s11 =	rddreg [dreg:$0xe]  }
0x18: {  	s2 =	smov.u32 s14;
	s6 =	sshll.u32 s14, $0x7;
	s21 =	rddreg [dreg:$0xa]  }
0x19: {  	s25 =	smul.u32 $0x3800, s13;
	s26 =	rddreg [dreg:$0x5];
	s29 =	sor.u32 $0x8000, s29  }
0x1a: {  	s0 =	smul.u32 $0x7000, s0;
	s1 =	sshll.u32 s16, $0x3;
	s2 =	simm.s32 @!p0 $0x8  }
0x1b: {  	p0 =	sgt.s32 s13, $0xBC;
	s12 =	sand.u32 $0x7F, s16;
	s5 =	smul.u32 $0x1C00, s21  }
0x1c: {  	s1 =	sand.u32 $0xFFFFFC00, s1;
	s2 =	sadd.s32 s3, s2;
	s3 =	smov.u32 s13  }
0x1d: {  	s0 =	sadd.s32 s0, s1;
	s1 =	sand.u32 $0x380, s6;
	s3 =	simm.s32 @!p0 $0xBC  }
0x1e: {  	s7 =	sadd.s32 $0xFFFFFFF8, s2;
	s0 =	sor.u32 s1, s0;
	s3 =	sadd.s32 s4, s3  }
0x1f: {  	p0 =	sgt.s32 s7, $0x7;
	s1 =	ssub.s32 $0x10, s2;
	s8 =	sshrl.u32 s0, $0x9  }
0x20: {  	s4 =	sadd.s32 $0xFFFFFF44, s3;
	s1 =	simm.s32 @p0 $0x0;
	s3 =	ssub.s32 $0xC4, s3  }
0x21: {  	s0 =	sor.u32 s12, s0;
	p0 =	sgt.s32 s4, $0x7;
	s1 =	smul.u32 s9, s1  }
0x22: {  	s12 =	rddreg [dreg:$0x8];
	s2 =	smulhi.u32 $0x24924925, s8;
	s3 =	simm.s32 @p0 $0x0  }
0x23: {  	s31 =	simm.s32 $0x1C000;
	s8 =	rddreg [dreg:$0x2];
	s1 =	smul.u32 s3, s1  }
0x24: {  	s9 =	rddreg [dreg:$0x3];
	s10 =	smul.u32 $0xE00, s2;
	s3 =	sadd.s32 s26, s5  }
0x25: {  	s2 =	sand.u32 $0xF, s2;
	s3 =	sadd.s32 s25, s3;
	s25 =	rddreg [dreg:$0xb]  }
0x26: {  	s2 =	smul.u32 $0x1C0, s2;
	s0 =	ssub.s32 s0, s10;
	s10 =	rddreg [dreg:$0x6]  }
0x27: {  	s1 =	smul.u32 s11, s1;
	s11 =	rddreg [dreg:$0x7];
	s27 =	sand.u32 $0x7, s0  }
0x28: {  	s0 =	sshrl.u32 s0, $0x3;
	s2 =	sadd.s32 s2, s3;
	s28 =	sshll.u32 s27, $0x12  }
0x29: {  	s1 =	sand.u32 $0x3FFFFFFF, s1;
	s0 =	sadd.s32 s0, s2;
	s30 =	sor.u32 $0x800, s28  }
0x2a: {  	[hbm4b:s0+s30] =	stream.strided.scatter [tilespmem:s29], [sflag:$0x2], s1, s31, s30, $0x38;
	[tilespmem:$0x10000] =	vst v63  }
.LBB1_19:
0x2b: {  	p0 =	slt.u32 s20, $0x2  }
0x2c: {  	p1 =	sgt.s32 @!p0 s24, $0xBC  }
0x2d: {  	s0 =	smov.u32 s24;
	s1 =	sshra.s32 @!p0 s24, $0x1F;
	p1 =	por !p1, p0  }
0x2e: {  	s4 =	smov.u32 s25;
	s1 =	sand.u32 @!p0 s1, s24;
	s0 =	simm.s32 @p1 $0xBC  }
0x2f: {  	s5 =	smov.u32 s17;
	s2 =	sshra.s32 @!p0 s22, $0x1F;
	s0 =	ssub.s32 @!p0 s0, s1  }
0x30: {  	p2 =	sgt.s32 @!p0 s23, $0x1;
	s2 =	sand.u32 @!p0 s2, s22;
	s1 =	sadd.s32 @!p0 $0xFFFFFF44, s0  }
0x31: {  	s24 =	smov.u32 s13;
	p1 =	sgt.s32 @!p0 s1, $0x7;
	s1 =	sshra.s32 @!p0 s23, $0x1F  }
0x32: {  	s0 =	ssub.s32 @!p0 $0xC4, s0;
	p1 =	por !p1, p0;
	s1 =	sand.u32 @!p0 s1, s23  }
0x33: {  	s0 =	simm.s32 @!p1 $0x0;
	p1 =	por !p2, p0;
	p2 =	sgt.s32 @!p0 s22, $0x8  }
0x34: {  	s1 =	sxor.u32 @!p0 $0xFFFFFFFF, s1;
	p2 =	por !p2, p0;
	s23 =	simm.s32 @p1 $0x1  }
0x35: {  	p1 =	sgt.s32 @!p0 s25, $0xD00;
	s22 =	simm.s32 @p2 $0x8;
	s1 =	sadd.s32 @!p0 s1, s23  }
0x36: {  	p1 =	por !p1, p0;
	s2 =	ssub.s32 @!p0 s22, s2;
	p2 =	sgt.s32 @!p0 s1, $0x0  }
0x37: {  	s4 =	simm.s32 @p1 $0xD00;
	s1 =	ssub.s32 @!p0 $0x1, s1;
	s3 =	sadd.s32 @!p0 $0xFFFFFFF8, s2  }
0x38: {  	p2 =	por !p2, p0;
	p1 =	sgt.s32 @!p0 s3, $0x7;
	s3 =	sshra.s32 @!p0 s25, $0x1F  }
0x39: {  	s2 =	ssub.s32 @!p0 $0x10, s2;
	s3 =	sand.u32 @!p0 s3, s25;
	p1 =	por !p1, p0  }
0x3a: {  	s1 =	simm.s32 @!p2 $0x0;
	s3 =	ssub.s32 @!p0 s4, s3;
	s2 =	simm.s32 @!p1 $0x0  }
0x3b: {  	s13 =	smov.u32 s17;
	s4 =	sadd.s32 @!p0 $0xFFFFF300, s3;
	s1 =	smul.u32 @!p0 s1, s2  }
0x3c: {  	s2 =	sadd.s32 $0x800, s15;
	s3 =	ssub.s32 @!p0 $0xE00, s3;
	p1 =	sgt.s32 @!p0 s4, $0xFF  }
0x3d: {  	p2 =	sgt.s32 s2, $0xDFF;
	s4 =	sadd.s32 $0x8, s17;
	p1 =	por !p1, p0  }
0x3e: {  	s0 =	smul.u32 @!p0 s0, s1;
	s5 =	smov.u32 @p2 s4;
	s1 =	sadd.s32 $0x10, s18  }
0x3f: {  	s4 =	smov.u32 s18;
	s3 =	simm.s32 @!p1 $0x0;
	p1 =	sgt.s32 s5, $0xC3  }
0x40: {  	s2 =	smov.u32 @p2 s8;
	s0 =	smul.u32 @!p0 s3, s0;
	s4 =	smov.u32 @p1 s1  }
0x41: {  	s1 =	sadd.s32 $0x2, s19;
	s3 =	smov.u32 s19;
	p2 =	sgt.s32 s4, $0xD  }
0x42: {  	s23 =	smov.u32 s21;
	s21 =	smov.u32 s19;
	s3 =	smov.u32 @p2 s1  }
0x43: {  	s22 =	smov.u32 s14;
	s5 =	simm.s32 @p1 $0x0;
	p1 =	sgt.s32 s3, $0x1  }
0x44: {  	s14 =	smov.u32 s18;
	s3 =	smov.u32 @p1 s9;
	p1 =	sne.s32 s20, s12  }
.Ltmp1:
0x45: {  	s25 =	smov.u32 s16;
	s16 =	smov.u32 s15;
	(pc) =	sbr.rel @!p1 .LBB1_20-.Ltmp1, $4  }
0x46: {  	s15 =	smov.u32 s2;
	s0 =	sand.u32 @!p0 $0x3FFFFFFF, s0;
	s1 =	simm.s32 @!p0 $0x2  }
0x47: {  	s17 =	smov.u32 s5;
	s4 =	smov.u32 @p2 s11;
	_ =	swait.ge @!p0 [sflag:s1], s0  }
0x48: {  	s0 =	ssub.s32 @!p0 $0x0, s0;
	s18 =	smov.u32 s4;
	[sflag:s1] =	ssyncset.done @!p0 $0x0  }
0x49: {  	s20 =	sadd.s32 $0x1, s20;
	[sflag:s1] =	ssyncadd.s32 @!p0 s0;
	s19 =	smov.u32 s3  }
.LBB1_1:
0x4a: {  	p0 =	sge.u32 s20, s10  }
.Ltmp2:
0x4b: {  	_ = 	snop;
	(pc) =	sbr.rel @p0 .LBB1_3-.Ltmp2, $1  }
0x4c: {  	_ =	sdelay $0x3  }
0x4d: {  	s0 =	sshrl.u32 s17, $0x3;
	s1 =	sshll.u32 s15, $0x3  }
0x4e: {  	s2 =	sshll.u32 s17, $0x7;
	s3 =	sxor.u32 $0xFFFFFFFF, s20;
	s27 =	sand.u32 $0x7F, s15  }
0x4f: {  	s28 =	sshra.s32 s19, $0x1F;
	p0 =	sgt.s32 s19, $0x1;
	s5 =	smov.u32 s19  }
0x50: {  	s6 =	sshra.s32 s18, $0x1F;
	s31 =	sshra.s32 s17, $0x1F;
	s0 =	smul.u32 $0x7000, s0  }
0x51: {  	s1 =	sand.u32 $0xFFFFFC00, s1;
	s26 =	sand.u32 $0x380, s2;
	s5 =	simm.s32 @!p0 $0x1  }
0x52: {  	s3 =	sshll.u32 s3, $0xE;
	s30 =	sand.u32 s6, s18;
	s6 =	sand.u32 s31, s17  }
0x53: {  	s31 =	smul.u32 $0x15E00, s18;
	s0 =	sadd.s32 s0, s1;
	s1 =	sand.u32 s28, s19  }
0x54: {  	s28 =	sshra.s32 s15, $0x1F;
	s0 =	sor.u32 s26, s0;
	s1 =	sxor.u32 $0xFFFFFFFF, s1  }
0x55: {  	s4 =	sshrl.u32 s0, $0x9;
	s0 =	sor.u32 s27, s0;
	s1 =	sadd.s32 s1, s5  }
0x56: {  	s4 =	smulhi.u32 $0x24924925, s4;
	p0 =	sgt.s32 s1, $0x0;
	s1 =	ssub.s32 $0x1, s1  }
0x57: {  	s5 =	smov.u32 s18;
	s1 =	simm.s32 @p0 $0x0;
	p0 =	sgt.s32 s18, $0x6  }
0x58: {  	s29 =	smul.u32 $0xE00, s4;
	s5 =	simm.s32 @!p0 $0x6;
	p0 =	sgt.s32 s17, $0xC0  }
0x59: {  	s26 =	smulhi.u32 $0x147AE15, s4;
	s2 =	ssub.s32 s5, s30;
	s5 =	smov.u32 s17  }
0x5a: {  	s30 =	smul.u32 $0x132400, s19;
	s7 =	sadd.s32 $0xFFFFFFFA, s2;
	s5 =	simm.s32 @!p0 $0xC0  }
0x5b: {  	s2 =	ssub.s32 $0xE, s2;
	p0 =	sgt.s32 s7, $0x7;
	s5 =	ssub.s32 s5, s6  }
0x5c: {  	s0 =	ssub.s32 s0, s29;
	s2 =	simm.s32 @p0 $0x0;
	s27 =	sadd.s32 $0xFFFFFF40, s5  }
0x5d: {  	s1 =	smul.u32 s1, s2;
	p0 =	sgt.s32 s27, $0x7;
	s2 =	ssub.s32 $0xC8, s5  }
0x5e: {  	s5 =	smov.u32 s15;
	s2 =	simm.s32 @p0 $0x0;
	p0 =	sgt.s32 s15, $0xD00  }
0x5f: {  	s6 =	smul.u32 $0xC8, s26;
	s7 =	sand.u32 s28, s15;
	s5 =	simm.s32 @!p0 $0xD00  }
0x60: {  	s26 =	rddreg [dreg:$0x4];
	s28 =	sand.u32 $0x7, s0;
	s29 =	ssub.s32 s5, s7  }
0x61: {  	s4 =	ssub.s32 s4, s6;
	s1 =	smul.u32 s2, s1;
	s5 =	sadd.s32 $0xFFFFF300, s29  }
0x62: {  	s2 =	sand.u32 $0x4000, s3;
	s3 =	ssub.s32 $0xE00, s29;
	p0 =	sgt.s32 s5, $0xFF  }
0x63: {  	s6 =	sadd.s32 s26, s30;
	s4 =	smul.u32 $0x1C0, s4;
	s3 =	simm.s32 @p0 $0x0  }
0x64: {  	s0 =	sshrl.u32 s0, $0x3;
	s27 =	sadd.s32 s31, s6;
	s1 =	smul.u32 s3, s1  }
0x65: {  	s31 =	simm.s32 $0xAF000;
	s29 =	sshll.u32 s28, $0x12;
	s3 =	sadd.s32 s4, s27  }
0x66: {  	s30 =	sor.u32 $0x800, s29;
	s0 =	sadd.s32 s0, s3;
	s1 =	sand.u32 $0x3FFFFFFF, s1  }
0x67: {  	[tilespmem:s2], [sflag:$0x1] =	stream.strided.gather [hbm4b:s0+s30], s1, s31, s30, $0x38;
	[tilespmem:$0x10000] =	vst v63  }
.LBB1_3:
0x68: {  	s0 =	sadd.s32 $0xFFFFFFFF, s20  }
0x69: {  	p0 =	sge.u32 s0, s10  }
.Ltmp3:
0x6a: {  	_ = 	snop;
	(pc) =	sbr.rel @p0 .LBB1_19-.Ltmp3, $1  }
0x6b: {  	_ =	sdelay $0x3  }
0x6c: {  	[dreg:$0xb] =	wrdreg s25;
	s0 =	sshra.s32 s21, $0x1F;
	p0 =	sgt.s32 s21, $0x1  }
0x6d: {  	s1 =	smov.u32 s21;
	s9 =	ssub.s32 $0x0, s14;
	s10 =	sshra.s32 s14, $0x1F  }
0x6e: {  	p1 =	sgt.s32 s14, $0x6;
	s2 =	smov.u32 s14;
	s11 =	sshra.s32 s16, $0x1F  }
0x6f: {  	[dreg:$0x9] =	wrdreg s16;
	s4 =	ssub.s32 $0x0, s13;
	s0 =	sand.u32 s0, s21  }
0x70: {  	s5 =	sshra.s32 s13, $0x1F;
	s1 =	simm.s32 @!p0 $0x1;
	s0 =	sxor.u32 $0xFFFFFFFF, s0  }
0x71: {  	s2 =	simm.s32 @!p1 $0x6;
	s5 =	sand.u32 s4, s5;
	s0 =	sadd.s32 s0, s1  }
0x72: {  	p0 =	sgt.s32 s0, $0x0;
	s6 =	ssub.s32 $0x1, s0;
	s0 =	sand.u32 s9, s10  }
0x73: {  	s1 =	smov.u32 s16;
	s6 =	simm.s32 @p0 $0x0;
	[dreg:$0xd] =	wrdreg s0  }
0x74: {  	s0 =	sadd.s32 s0, s2;
	p0 =	sgt.s32 s16, $0xD00;
	s2 =	sand.u32 s11, s16  }
0x75: {  	s3 =	sadd.s32 $0xFFFFFFFA, s0;
	s1 =	simm.s32 @!p0 $0xD00;
	p0 =	sgt.s32 s13, $0xC0  }
0x76: {  	s0 =	ssub.s32 $0xE, s0;
	s1 =	ssub.s32 s1, s2;
	s2 =	smov.u32 s13  }
0x77: {  	p1 =	sgt.s32 s3, $0x7;
	s12 =	sadd.s32 $0xFFFFF300, s1;
	s2 =	simm.s32 @!p0 $0xC0  }
0x78: {  	s4 =	ssub.s32 $0xE00, s1;
	p0 =	sgt.s32 s12, $0xFF;
	s16 =	sadd.s32 s5, s2  }
0x79: {  	s4 =	simm.s32 @p0 $0x0;
	s2 =	sadd.s32 $0xFFFFFF40, s16;
	s1 =	ssub.s32 $0xC8, s16  }
0x7a: {  	s25 =	smul.u32 s6, s4;
	p0 =	sgt.s32 s2, $0x7;
	s2 =	sadd.s32 $0x1, s21  }
0x7b: {  	s0 =	simm.s32 @p1 $0x0;
	s1 =	simm.s32 @p0 $0x0;
	p0 =	slt.s32 s2, $0x2  }
0x7c: {  	s3 =	sadd.s32 $0x8, s14;
	s0 =	smul.u32 s0, s25;
	s2 =	simm.s32 @!p0 $0x2  }
0x7d: {  	p0 =	slt.s32 s3, $0xE;
	s30 =	ssub.s32 s2, s21  }
0x7e: {  	s3 =	simm.s32 @!p0 $0xE;
	s0 =	smul.u32 s1, s0;
	s1 =	sadd.s32 $0x8, s13  }
0x7f: {  	s31 =	ssub.s32 s3, s14;
	p0 =	slt.s32 s30, $0x1;
	p1 =	slt.s32 s1, $0xC4  }
0x80: {  	s1 =	simm.s32 @!p1 $0xC4;
	p1 =	slt.s32 @!p0 s31, $0x1  }
0x81: {  	s3 =	ssub.s32 s1, s13;
	p1 =	por p0, p1  }
0x82: {  	[dreg:$0xa] =	wrdreg s21;
	p2 =	slt.s32 @!p1 s3, $0x1  }
0x83: {  	[dreg:$0xf] =	wrdreg s5;
	p1 =	por p1, p2  }
.Ltmp4:
0x84: {  	[dreg:$0xc] =	wrdreg s6;
	(pc) =	sbr.rel @p1 .LBB1_18-.Ltmp4, $4  }
0x85: {  	s27 =	simm.s32 $0x1;
	[dreg:$0xe] =	wrdreg s4;
	s0 =	sand.u32 $0x3FFFFFFF, s0  }
0x86: {  	_ =	swait.ge [sflag:s27], s0  }
0x87: {  	s28 =	sshll.u32 s20, $0xE;
	s26 =	ssub.s32 $0x0, s0;
	[sflag:s27] =	ssyncset.done $0x0  }
0x88: {  	s29 =	sand.u32 $0x4000, s28;
	[sflag:s27] =	ssyncadd.s32 s26  }
0x89: {  	s1 =	rddreg [dreg:$0x9]  }
0x8a: {  	s0 =	sadd.s32 $0x100, s1  }
0x8b: {  	p1 =	slt.s32 s0, $0xE00  }
.Ltmp5:
0x8c: {  	s0 =	simm.s32 @!p1 $0xE00;
	(pc) =	sbr.rel .LBB1_6-.Ltmp5, $4  }
0x8d: {  	s0 =	ssub.s32 s0, s1  }
0x8e: {  	s11 =	sor.u32 @!p0 $0x8000, s29;
	s5 =	simm.s32 $0x0;
	s1 =	sadd.s32 $0xF, s0  }
0x8f: {  	s0 =	sand.u32 $0xFFFFFFF0, s1;
	s2 =	sshll.u32 s1, $0x3;
	s10 =	sand.u32 @!p0 $0xFFFFFF00, s1  }
0x90: {  	p0 =	slt.s32 s1, $0x100;
	s4 =	sand.u32 $0xFFFFF800, s2;
	p1 =	sge.s32 s10, s0  }
.LBB1_17:
0x91: {  	s5 =	sadd.s32 $0x1, s5  }
0x92: {  	p2 =	sne.s32 s5, s30  }
.Ltmp6:
0x93: {  	_ = 	snop;
	(pc) =	sbr.rel @!p2 .LBB1_18-.Ltmp6, $1  }
0x94: {  	_ =	sdelay $0x3  }
.LBB1_6:
.Ltmp7:
0x95: {  	(pc) =	sbr.rel .LBB1_7-.Ltmp7, $4  }
0x96: {  	_ = 	snop  }
0x97: {  	s1 =	sshll.u32 s5, $0x10  }
0x98: {  	s1 =	sshra.s32 s1, $0x2  }
0x99: {  	s9 =	simm.s32 $0x0;
	s6 =	sadd.s32 s1, s29  }
.LBB1_16:
0x9a: {  	s9 =	sadd.s32 $0x1, s9  }
0x9b: {  	p2 =	sne.s32 s9, s31  }
.Ltmp8:
0x9c: {  	_ = 	snop;
	(pc) =	sbr.rel @!p2 .LBB1_17-.Ltmp8, $1  }
0x9d: {  	_ =	sdelay $0x3  }
.LBB1_7:
.Ltmp9:
0x9e: {  	(pc) =	sbr.rel .LBB1_8-.Ltmp9, $4  }
0x9f: {  	s1 =	sshll.u32 s9, $0xD;
	s2 =	sshll.u32 s9, $0x7  }
0xa0: {  	s1 =	sshra.s32 s1, $0x2;
	s7 =	sand.u32 $0x300, s2;
	s8 =	sand.u32 $0x380, s2  }
0xa1: {  	s21 =	sand.u32 $0x80, s2;
	s1 =	sadd.s32 s1, s6;
	s7 =	sadd.s32 s7, s11  }
0xa2: {  	s2 =	sadd.s32 s8, s11;
	s8 =	sadd.s32 s21, s7;
	s7 =	simm.s32 $0x0  }
.LBB1_15:
0xa3: {  	s7 =	sadd.s32 $0x1, s7  }
0xa4: {  	p2 =	sne.s32 s7, s3  }
.Ltmp10:
0xa5: {  	_ = 	snop;
	(pc) =	sbr.rel @!p2 .LBB1_16-.Ltmp10, $1  }
0xa6: {  	_ =	sdelay $0x3  }
.LBB1_8:
.Ltmp11:
0xa7: {  	(pc) =	sbr.rel @p0 .LBB1_12-.Ltmp11, $2  }
0xa8: {  	_ =	sdelay $0x2  }
0xa9: {  	s26 =	sshll.u32 s7, $0x7;
	s28 =	sadd.s32 s5, s7  }
0xaa: {  	s25 =	sand.u32 $0x380, s26  }
0xab: {  	s27 =	sadd.s32 s25, s1  }
0xac: {  	v0 =	vld [tilespmem:s27+$0x440]  }
0xad: {  	v1 =	vld [tilespmem:s27+$0x0]  }
0xae: {  	s21 =	sshll.u32 s28, $0xD;
	v2 =	vld [tilespmem:s27+$0x10]  }
0xaf: {  	s21 =	sshra.s32 s21, $0x2;
	v3 =	vld [tilespmem:s27+$0x470]  }
0xb0: {  	s25 =	sadd.s32 s21, s2;
	v4 =	vld [tilespmem:s27+$0x460]  }
0xb1: {  	v5 =	vld [tilespmem:s27+$0x20];
	[tilespmem:s25+$0x440] =	vst v0  }
0xb2: {  	v6 =	vld [tilespmem:s27+$0x70];
	[tilespmem:s25+$0x0] =	vst v1  }
0xb3: {  	[tilespmem:s25+$0x10] =	vst v2;
	v2 =	vld [tilespmem:s27+$0x40]  }
0xb4: {  	v0 =	vld [tilespmem:s27+$0x30];
	[tilespmem:s25+$0x470] =	vst v3  }
0xb5: {  	v3 =	vld [tilespmem:s27+$0x400];
	[tilespmem:s25+$0x460] =	vst v4  }
0xb6: {  	p2 =	sgt.s32 s10, $0x100;
	[tilespmem:s25+$0x20] =	vst v5;
	v5 =	vld [tilespmem:s27+$0x410]  }
.Ltmp12:
0xb7: {  	v1 =	vld [tilespmem:s27+$0x420];
	[tilespmem:s25+$0x70] =	vst v6;
	(pc) =	sbr.rel @!p2 .LBB1_11-.Ltmp12, $4  }
0xb8: {  	[tilespmem:s25+$0x40] =	vst v2;
	v2 =	vld [tilespmem:s27+$0x430]  }
0xb9: {  	[tilespmem:s25+$0x30] =	vst v0;
	v0 =	vld [tilespmem:s27+$0x60]  }
0xba: {  	[tilespmem:s25+$0x400] =	vst v3;
	v3 =	vld [tilespmem:s27+$0x450]  }
0xbb: {  	s21 =	simm.s32 $0x100;
	v4 =	vld [tilespmem:s27+$0x50];
	[tilespmem:s25+$0x410] =	vst v5  }
.LBB1_10:
0xbc: {  	v5 =	vld [tilespmem:s27+$0x440];
	s21 =	sadd.s32 $0x100, s21;
	[tilespmem:s25+$0x420] =	vst v1  }
0xbd: {  	v1 =	vld [tilespmem:s27+$0x0];
	p2 =	slt.s32 s21, s10;
	[tilespmem:s25+$0x430] =	vst v2  }
0xbe: {  	v2 =	vld [tilespmem:s27+$0x10];
	[tilespmem:s25+$0x60] =	vst v0  }
0xbf: {  	v0 =	vld [tilespmem:s27+$0x470];
	[tilespmem:s25+$0x450] =	vst v3  }
0xc0: {  	v3 =	vld [tilespmem:s27+$0x460];
	[tilespmem:s25+$0x50] =	vst v4  }
0xc1: {  	v4 =	vld [tilespmem:s27+$0x20];
	[tilespmem:s25+$0x440] =	vst v5  }
0xc2: {  	[tilespmem:s25+$0x0] =	vst v1;
	v1 =	vld [tilespmem:s27+$0x30]  }
0xc3: {  	[tilespmem:s25+$0x10] =	vst v2;
	v2 =	vld [tilespmem:s27+$0x40]  }
0xc4: {  	v5 =	vld [tilespmem:s27+$0x70];
	[tilespmem:s25+$0x470] =	vst v0  }
0xc5: {  	v6 =	vld [tilespmem:s27+$0x400];
	[tilespmem:s25+$0x460] =	vst v3  }
0xc6: {  	[tilespmem:s25+$0x20] =	vst v4;
	v7 =	vld [tilespmem:s27+$0x410]  }
.Ltmp13:
0xc7: {  	[tilespmem:s25+$0x30] =	vst v1;
	v1 =	vld [tilespmem:s27+$0x420];
	(pc) =	sbr.rel @p2 .LBB1_10-.Ltmp13, $4  }
0xc8: {  	[tilespmem:s25+$0x40] =	vst v2;
	v2 =	vld [tilespmem:s27+$0x430]  }
0xc9: {  	v0 =	vld [tilespmem:s27+$0x60];
	[tilespmem:s25+$0x70] =	vst v5  }
0xca: {  	[tilespmem:s25+$0x400] =	vst v6;
	v3 =	vld [tilespmem:s27+$0x450]  }
0xcb: {  	v4 =	vld [tilespmem:s27+$0x50];
	[tilespmem:s25+$0x410] =	vst v7  }
.LBB1_11:
0xcc: {  	[tilespmem:s25+$0x420] =	vst v1  }
0xcd: {  	[tilespmem:s25+$0x430] =	vst v2  }
0xce: {  	[tilespmem:s25+$0x60] =	vst v0  }
0xcf: {  	[tilespmem:s25+$0x450] =	vst v3  }
0xd0: {  	[tilespmem:s25+$0x50] =	vst v4  }
.LBB1_12:
.Ltmp14:
0xd1: {  	(pc) =	sbr.rel @p1 .LBB1_15-.Ltmp14, $1  }
0xd2: {  	_ =	sdelay $0x3  }
0xd3: {  	s21 =	sand.u32 $0x300, s26;
	s25 =	sshll.u32 s28, $0xD;
	s28 =	sand.u32 $0x80, s26  }
0xd4: {  	s26 =	smov.u32 s4;
	s21 =	sadd.s32 s21, s1;
	s25 =	sshra.s32 s25, $0x2  }
0xd5: {  	s27 =	smov.u32 s10;
	s21 =	sadd.s32 s28, s21;
	s25 =	sadd.s32 s25, s8  }
.LBB1_14:
0xd6: {  	s28 =	sand.u32 $0x400, s26  }
0xd7: {  	s16 =	sand.u32 $0x70, s27;
	s12 =	sadd.s32 s28, s21  }
0xd8: {  	s27 =	sadd.s32 $0x10, s27;
	s12 =	sadd.s32 s16, s12  }
0xd9: {  	p2 =	slt.s32 s27, s0;
	v0 =	vld [tilespmem:s12+$0x0]  }
.Ltmp15:
0xda: {  	_ = 	snop;
	(pc) =	sbr.rel @p2 .LBB1_14-.Ltmp15, $4  }
0xdb: {  	_ = 	snop  }
0xdc: {  	s28 =	sadd.s32 s28, s25  }
0xdd: {  	s12 =	sadd.s32 s16, s28  }
0xde: {  	s26 =	sadd.s32 $0x80, s26;
	[tilespmem:s12+$0x0] =	vst v0  }
.Ltmp16:
0xdf: {  	_ = 	snop;
	(pc) =	sbr.rel .LBB1_15-.Ltmp16, $1  }
0xe0: {  	_ =	sdelay $0x3  }
.LBB1_20:
0xe1: {  	_ =	sfence.sel $0x180000  }
0xe2: {  	s0 =	simm.s32 $0x1;
	[bflag:$0x0] =	sbarrier.arrive $0xFFFF  }
0xe3: {  	s30 =	simm.s32 $0x2;
	[sflag:s0] =	ssyncpa.u1 $0x1  }
0xe4: {  	[sflag:s30] =	ssyncpa.u1 $0x1  }
0xe5: {  	_ =	strace $0x90000047  }
0xe6: {  	s31 =	stileid.u32;
	[bflag:$0x2] =	sbarrier.arrive $0xFFFF  }
0xe7: {  	p0 =	sne.s32 s31, $0x0;
	s0 =	rddreg [dreg:$0x1]  }
0xe8: {  	s0 =	sadd.s32 @!p0 $0x100000, s0  }
0xe9: {  	[sflag:s0] =	ssyncadd.tile.s32 @!p0 $0x1;
	_ =	shalt  }
.Lfunc_end1:
_tile_overlayer_lowered:
.L_overlay_start_2:
0xea: {  	(tag) =	ssettag $0x2  }
0xeb: {  	s0 =	rddreg [dreg:$0x0];
	s2 =	stileid.u32  }
0xec: {  	s1 =	rddreg [dreg:$0x1];
	p0 =	sne.s32 s2, $0x0  }
0xed: {  	s3 =	rddreg [dreg:$0x2];
	[bflag:$0x3] =	sbarrier.arrive $0xFFFF;
	s2 =	simm.s32 @!p0 $0x1C01  }
0xee: {  	[timem:s3], [sflag:s2] =	dma.local @!p0 [hbm:s0], s1  }
0xef: {  	s0 =	simm.s32 @!p0 $0x1  }
0xf0: {  	_ =	swait.ge @!p0 [sflag:s0], s1  }
0xf1: {  	s1 =	ssub.s32 @!p0 $0x0, s1;
	[sflag:s0] =	ssyncset.done @!p0 $0x0  }
0xf2: {  	[sflag:s0] =	ssyncadd.s32 @!p0 s1  }
0xf3: {  	[bflag:$0x3] =	sbarrier.arrive $0xFFFF  }
0xf4: {  	_ =	shalt  }

</sc_bundles>
